<compile_context>
chip_gen: v7x
topology: tpu7x:2x2x1
jax: 0.10.2.dev20260603
libtpu: 0.0.44.dev20260713+nightly
codegen_flags: <defaults>
</compile_context>

<pallas_src>
import jax
import jax.numpy as jnp
from jax import lax
from jax.experimental import pallas as pl
from jax.experimental.pallas import tpu as pltpu
from jax.experimental.pallas import tpu_sc as plsc

N_EXPERTS = 64
TOP_K = 8
D_MODEL = 4096
TOKENS = 16384

BT = 512

NC = 2
NS = 16
L = 16
NW = NC * NS
TPW = TOKENS // NW


def _dense_block(x_ref, w_ref, b_ref, s_ref):
    s_ref[...] = jax.nn.sigmoid(
        jnp.dot(x_ref[...], w_ref[...], preferred_element_type=jnp.float32)
        + b_ref[...]
    )


def _tc_scores(x, W, b2):
    return pl.pallas_call(
        _dense_block,
        grid=(TOKENS // BT,),
        in_specs=[
            pl.BlockSpec((BT, D_MODEL), lambda i: (i, 0)),
            pl.BlockSpec((D_MODEL, N_EXPERTS), lambda i: (0, 0)),
            pl.BlockSpec((1, N_EXPERTS), lambda i: (0, 0)),
        ],
        out_specs=pl.BlockSpec((BT, N_EXPERTS), lambda i: (i, 0)),
        out_shape=jax.ShapeDtypeStruct((TOKENS, N_EXPERTS), jnp.float32),
    )(x, W, b2)


def _merge_tops(ka, ia, kb, ib):
    take_a = ka >= kb
    return jnp.where(take_a, ka, kb), jnp.where(take_a, ia, ib)


def _sc_topk_body(s_hbm, gs_hbm, gi_hbm, s_v, gs_v, gi_v):
    wid = lax.axis_index("s") * NC + lax.axis_index("c")
    base = wid * TPW
    pltpu.sync_copy(s_hbm.at[pl.ds(base, TPW)], s_v)

    iota = lax.iota(jnp.int32, L)
    lane_lt8 = iota < TOP_K

    @plsc.parallel_loop(0, TPW, step=1, unroll=4)
    def _token_loop(t):
        k0, i0 = plsc.sort_key_val(s_v[t, pl.ds(0, L)], iota, descending=True)
        k1, i1 = plsc.sort_key_val(s_v[t, pl.ds(L, L)], iota + L)
        k2, i2 = plsc.sort_key_val(s_v[t, pl.ds(2 * L, L)], iota + 2 * L, descending=True)
        k3, i3 = plsc.sort_key_val(s_v[t, pl.ds(3 * L, L)], iota + 3 * L)
        ek, ei = _merge_tops(k0, i0, k1, i1)
        fk, fi = _merge_tops(k2, i2, k3, i3)
        ek, ei = plsc.sort_key_val(ek, ei, descending=True)
        fk, fi = plsc.sort_key_val(fk, fi)
        gk, gi = _merge_tops(ek, ei, fk, fi)
        gk, gi = plsc.sort_key_val(gk, gi, descending=True)
        total = jnp.sum(jnp.where(lane_lt8, gk, 0.0))
        gs_v[t, :] = gk / total
        gi_v[t, :] = gi

    pltpu.sync_copy(gs_v, gs_hbm.at[pl.ds(base, TPW)])
    pltpu.sync_copy(gi_v, gi_hbm.at[pl.ds(base, TPW)])


_sc_topk = pl.kernel(
    _sc_topk_body,
    out_type=[
        jax.ShapeDtypeStruct((TOKENS, L), jnp.float32),
        jax.ShapeDtypeStruct((TOKENS, L), jnp.int32),
    ],
    mesh=plsc.VectorSubcoreMesh(
        core_axis_name="c", subcore_axis_name="s", num_cores=NC, num_subcores=NS
    ),
    scratch_types=[
        pltpu.VMEM((TPW, N_EXPERTS), jnp.float32),
        pltpu.VMEM((TPW, L), jnp.float32),
        pltpu.VMEM((TPW, L), jnp.int32),
    ],
    compiler_params=pltpu.CompilerParams(
        needs_layout_passes=False, use_tc_tiling_on_sc=False
    ),
)


@jax.jit
def kernel(x, W, b):
    s = _tc_scores(x, W, b.reshape(1, N_EXPERTS))
    gs16, gi16 = _sc_topk(s)
    return (gs16[:, :TOP_K], gi16[:, :TOP_K], s)

# --- scband reference (transcript-rebuilt; emitter-appended) ---
"""Pipeline reference for scband-noisy-kgate-9268539425526 (READ-ONLY COPY).

The authoritative reference and input builder live on the scoring server;
editing this copy changes nothing except your own understanding.
"""

import jax, jax.numpy as jnp
import numpy as np

N_EXPERTS = 64
TOP_K = 8
D_MODEL = 4096
TOKENS = 16384


def setup_inputs(seed: int = 0) -> dict:
    key = jax.random.key(seed)
    k1, k2 = jax.random.split(key)
    x = jax.random.normal(k1, (TOKENS, D_MODEL), dtype=jnp.float32)
    W = jax.random.normal(k2, (D_MODEL, N_EXPERTS), dtype=jnp.float32) * (1.0 / np.sqrt(D_MODEL))
    b = jnp.zeros((N_EXPERTS,), dtype=jnp.float32)
    return {"x": x, "W": W, "b": b}


def reference(x, W, b):
    # Dense centroids + sigmoid
    s = jax.nn.sigmoid(jnp.dot(x, W) + b)  # [T, E]
    # per-token top-k gating, mirroring NoisyKGate.top applied along last axis
    g_i, indices = jax.lax.top_k(s, TOP_K)  # [T, k], [T, k]
    rows = jnp.arange(s.shape[0])[:, None]
    g = jnp.zeros_like(s).at[rows, indices].set(g_i)  # scatter-overwrite
    g = g / jnp.sum(g, axis=-1, keepdims=True)
    g_scores = jnp.take_along_axis(g, indices, axis=-1)  # gather back
    return (g_scores, indices, s)

if __name__ == "__main__":
    import jax
    _d = setup_inputs()
    print(jax.jit(kernel)(*tuple(_d.values())))

</pallas_src>

<mosaic_0001>
#map = affine_map<(d0, d1) -> (0, 0)>
module attributes {stable_mosaic.version = 14 : i64} {
  func.func @_sc_topk_body(%arg0: i32, %arg1: i32, %arg2: memref<16384x64xf32, #tpu.memory_space<hbm>>, %arg3: memref<16384x16xf32, #tpu.memory_space<hbm>>, %arg4: memref<16384x16xi32, #tpu.memory_space<hbm>>, %arg5: memref<512x64xf32, #tpu.memory_space<vmem>>, %arg6: memref<512x16xf32, #tpu.memory_space<vmem>>, %arg7: memref<512x16xi32, #tpu.memory_space<vmem>>) attributes {dimension_semantics = [#tpu.dimension_semantics<core_parallel>, #tpu.dimension_semantics<subcore_parallel>], iteration_bounds = array<i64: 2, 16>, scalar_prefetch = 0 : i64, scratch_operands = 3 : i64, tpu.core_type = #tpu.core_type<sc_vector_subcore>, window_params = [{transform_indices = #map}, {transform_indices = #map}, {transform_indices = #map}]} {
    %mul3A = arith.constant 2 : i32
    %mul3A_0 = arith.muli %arg1, %mul3A : i32
    %add3A = arith.addi %mul3A_0, %arg0 : i32
    %mul3A_1 = arith.constant 512 : i32
    %mul3A_2 = arith.muli %add3A, %mul3A_1 : i32
    "tpu.region"() ({
      %run_scoped3A = tpu.sem_alloc : memref<!tpu.dma_semaphore, #tpu.memory_space<semaphore_mem>>
      %dma_start3A = arith.constant 0 : i32
      %dma_start3A_7 = tpu.memref_slice %arg2[%mul3A_2, %dma_start3A] : memref<16384x64xf32, #tpu.memory_space<hbm>> -> memref<512x64xf32, #tpu.memory_space<hbm>>
      %dma_start3A_8 = arith.constant 0 : i32
      %dma_start3A_9 = tpu.memref_slice %arg2[%mul3A_2, %dma_start3A_8] : memref<16384x64xf32, #tpu.memory_space<hbm>> -> memref<512x64xf32, #tpu.memory_space<hbm>>
      tpu.enqueue_dma source(%dma_start3A_9 : memref<512x64xf32, #tpu.memory_space<hbm>>) target(%arg5 : memref<512x64xf32, #tpu.memory_space<vmem>>) target_semaphore(%run_scoped3A : memref<!tpu.dma_semaphore, #tpu.memory_space<semaphore_mem>>)
      %dma_wait3A = arith.constant 0 : i32
      %dma_wait3A_10 = tpu.memref_slice %arg2[%mul3A_2, %dma_wait3A] : memref<16384x64xf32, #tpu.memory_space<hbm>> -> memref<512x64xf32, #tpu.memory_space<hbm>>
      %dma_wait3A_11 = arith.constant 0 : i32
      %dma_wait3A_12 = tpu.memref_slice %arg2[%mul3A_2, %dma_wait3A_11] : memref<16384x64xf32, #tpu.memory_space<hbm>> -> memref<512x64xf32, #tpu.memory_space<hbm>>
      tpu.wait_dma2 semaphore(%run_scoped3A : memref<!tpu.dma_semaphore, #tpu.memory_space<semaphore_mem>>) src(%dma_wait3A_12 : memref<512x64xf32, #tpu.memory_space<hbm>>) dst(%arg5 : memref<512x64xf32, #tpu.memory_space<vmem>>)
      tpu.yield
    }) : () -> ()
    %iota3A = tpu.iota {dimensions = array<i32: 0>} : vector<16xi32>
    %lt3A = arith.constant 8 : i32
    %lt3A_3 = vector.broadcast %lt3A : i32 to vector<16xi32>
    %lt3A_4 = arith.cmpi slt, %iota3A, %lt3A_3 : vector<16xi32>
    %parallel_loop3A = arith.constant 0 : i32
    %parallel_loop3A_5 = arith.constant 512 : i32
    %parallel_loop3A_6 = arith.constant 1 : i32
    scf.for %parallel_loop3A_7 = %parallel_loop3A to %parallel_loop3A_5 step %parallel_loop3A_6  : i32 {
      %parallel_loop3A_8 = arith.index_cast %parallel_loop3A_7 : i32 to index
      %parallel_loop3A_9 = arith.constant 0 : index
      %parallel_loop3A_10 = tpu.vector_load %arg5[%parallel_loop3A_8, %parallel_loop3A_9] {strides = array<i32>} : memref<512x64xf32, #tpu.memory_space<vmem>>, vector<16xf32>,
      %parallel_loop3A_11 = arith.constant dense<true> : vector<16xi1>
      %parallel_loop3A_12, %parallel_loop3A_13, %parallel_loop3A_14 = tpu.sort %parallel_loop3A_10, %iota3A masked %parallel_loop3A_11 {descending = true} : (vector<16xf32>, vector<16xi32>, vector<16xi1>) -> (vector<16xi1>, vector<16xf32>, vector<16xi32>)
      %parallel_loop3A_15 = arith.index_cast %parallel_loop3A_7 : i32 to index
      %parallel_loop3A_16 = arith.constant 16 : index
      %parallel_loop3A_17 = tpu.vector_load %arg5[%parallel_loop3A_15, %parallel_loop3A_16] {strides = array<i32>} : memref<512x64xf32, #tpu.memory_space<vmem>>, vector<16xf32>,
      %parallel_loop3A_18 = arith.constant 16 : i32
      %parallel_loop3A_19 = vector.broadcast %parallel_loop3A_18 : i32 to vector<16xi32>
      %parallel_loop3A_20 = arith.addi %iota3A, %parallel_loop3A_19 : vector<16xi32>
      %parallel_loop3A_21 = arith.constant dense<true> : vector<16xi1>
      %parallel_loop3A_22, %parallel_loop3A_23, %parallel_loop3A_24 = tpu.sort %parallel_loop3A_17, %parallel_loop3A_20 masked %parallel_loop3A_21 : (vector<16xf32>, vector<16xi32>, vector<16xi1>) -> (vector<16xi1>, vector<16xf32>, vector<16xi32>)
      %parallel_loop3A_25 = arith.index_cast %parallel_loop3A_7 : i32 to index
      %parallel_loop3A_26 = arith.constant 32 : index
      %parallel_loop3A_27 = tpu.vector_load %arg5[%parallel_loop3A_25, %parallel_loop3A_26] {strides = array<i32>} : memref<512x64xf32, #tpu.memory_space<vmem>>, vector<16xf32>,
      %parallel_loop3A_28 = arith.constant 32 : i32
      %parallel_loop3A_29 = vector.broadcast %parallel_loop3A_28 : i32 to vector<16xi32>
      %parallel_loop3A_30 = arith.addi %iota3A, %parallel_loop3A_29 : vector<16xi32>
      %parallel_loop3A_31 = arith.constant dense<true> : vector<16xi1>
      %parallel_loop3A_32, %parallel_loop3A_33, %parallel_loop3A_34 = tpu.sort %parallel_loop3A_27, %parallel_loop3A_30 masked %parallel_loop3A_31 {descending = true} : (vector<16xf32>, vector<16xi32>, vector<16xi1>) -> (vector<16xi1>, vector<16xf32>, vector<16xi32>)
      %parallel_loop3A_35 = arith.index_cast %parallel_loop3A_7 : i32 to index
      %parallel_loop3A_36 = arith.constant 48 : index
      %parallel_loop3A_37 = tpu.vector_load %arg5[%parallel_loop3A_35, %parallel_loop3A_36] {strides = array<i32>} : memref<512x64xf32, #tpu.memory_space<vmem>>, vector<16xf32>,
      %parallel_loop3A_38 = arith.constant 48 : i32
      %parallel_loop3A_39 = vector.broadcast %parallel_loop3A_38 : i32 to vector<16xi32>
      %parallel_loop3A_40 = arith.addi %iota3A, %parallel_loop3A_39 : vector<16xi32>
      %parallel_loop3A_41 = arith.constant dense<true> : vector<16xi1>
      %parallel_loop3A_42, %parallel_loop3A_43, %parallel_loop3A_44 = tpu.sort %parallel_loop3A_37, %parallel_loop3A_40 masked %parallel_loop3A_41 : (vector<16xf32>, vector<16xi32>, vector<16xi1>) -> (vector<16xi1>, vector<16xf32>, vector<16xi32>)
      %parallel_loop3A_45 = arith.cmpf oge, %parallel_loop3A_13, %parallel_loop3A_23 : vector<16xf32>
      %parallel_loop3A_46 = arith.select %parallel_loop3A_45, %parallel_loop3A_13, %parallel_loop3A_23 : vector<16xi1>, vector<16xf32>
      %parallel_loop3A_47 = arith.select %parallel_loop3A_45, %parallel_loop3A_14, %parallel_loop3A_24 : vector<16xi1>, vector<16xi32>
      %parallel_loop3A_48 = arith.cmpf oge, %parallel_loop3A_33, %parallel_loop3A_43 : vector<16xf32>
      %parallel_loop3A_49 = arith.select %parallel_loop3A_48, %parallel_loop3A_33, %parallel_loop3A_43 : vector<16xi1>, vector<16xf32>
      %parallel_loop3A_50 = arith.select %parallel_loop3A_48, %parallel_loop3A_34, %parallel_loop3A_44 : vector<16xi1>, vector<16xi32>
      %parallel_loop3A_51 = arith.constant dense<true> : vector<16xi1>
      %parallel_loop3A_52, %parallel_loop3A_53, %parallel_loop3A_54 = tpu.sort %parallel_loop3A_46, %parallel_loop3A_47 masked %parallel_loop3A_51 {descending = true} : (vector<16xf32>, vector<16xi32>, vector<16xi1>) -> (vector<16xi1>, vector<16xf32>, vector<16xi32>)
      %parallel_loop3A_55 = arith.constant dense<true> : vector<16xi1>
      %parallel_loop3A_56, %parallel_loop3A_57, %parallel_loop3A_58 = tpu.sort %parallel_loop3A_49, %parallel_loop3A_50 masked %parallel_loop3A_55 : (vector<16xf32>, vector<16xi32>, vector<16xi1>) -> (vector<16xi1>, vector<16xf32>, vector<16xi32>)
      %parallel_loop3A_59 = arith.cmpf oge, %parallel_loop3A_53, %parallel_loop3A_57 : vector<16xf32>
      %parallel_loop3A_60 = arith.select %parallel_loop3A_59, %parallel_loop3A_53, %parallel_loop3A_57 : vector<16xi1>, vector<16xf32>
      %parallel_loop3A_61 = arith.select %parallel_loop3A_59, %parallel_loop3A_54, %parallel_loop3A_58 : vector<16xi1>, vector<16xi32>
      %parallel_loop3A_62 = arith.constant dense<true> : vector<16xi1>
      %parallel_loop3A_63, %parallel_loop3A_64, %parallel_loop3A_65 = tpu.sort %parallel_loop3A_60, %parallel_loop3A_61 masked %parallel_loop3A_62 {descending = true} : (vector<16xf32>, vector<16xi32>, vector<16xi1>) -> (vector<16xi1>, vector<16xf32>, vector<16xi32>)
      %parallel_loop3A_66 = arith.constant 0.000000e+00 : f32
      %parallel_loop3A_67 = vector.broadcast %parallel_loop3A_66 : f32 to vector<16xf32>
      %parallel_loop3A_68 = arith.select %lt3A_4, %parallel_loop3A_64, %parallel_loop3A_67 : vector<16xi1>, vector<16xf32>
      %parallel_loop3A_69 = arith.constant true
      %parallel_loop3A_70 = vector.broadcast %parallel_loop3A_69 : i1 to vector<16xi1>
      %parallel_loop3A_71 = tpu.scan <sum>, %parallel_loop3A_68 masked %parallel_loop3A_70 : vector<16xf32>, vector<16xi1> -> vector<16xf32>
      %parallel_loop3A_72 = vector.extract %parallel_loop3A_71[15] : f32 from vector<16xf32>
      %parallel_loop3A_73 = vector.broadcast %parallel_loop3A_72 : f32 to vector<16xf32>
      %parallel_loop3A_74 = arith.divf %parallel_loop3A_64, %parallel_loop3A_73 : vector<16xf32>
      %parallel_loop3A_75 = arith.index_cast %parallel_loop3A_7 : i32 to index
      %parallel_loop3A_76 = arith.constant 0 : index
      %parallel_loop3A_77 = tpu.vector_load %arg6[%parallel_loop3A_75, %parallel_loop3A_76] {strides = array<i32>} : memref<512x16xf32, #tpu.memory_space<vmem>>, vector<16xf32>,
      tpu.vector_store %arg6[%parallel_loop3A_75, %parallel_loop3A_76], %parallel_loop3A_74 {strides = array<i32>} : memref<512x16xf32, #tpu.memory_space<vmem>>, vector<16xf32>,
      %parallel_loop3A_78 = arith.index_cast %parallel_loop3A_7 : i32 to index
      %parallel_loop3A_79 = arith.constant 0 : index
      %parallel_loop3A_80 = tpu.vector_load %arg7[%parallel_loop3A_78, %parallel_loop3A_79] {strides = array<i32>} : memref<512x16xi32, #tpu.memory_space<vmem>>, vector<16xi32>,
      tpu.vector_store %arg7[%parallel_loop3A_78, %parallel_loop3A_79], %parallel_loop3A_65 {strides = array<i32>} : memref<512x16xi32, #tpu.memory_space<vmem>>, vector<16xi32>,
    } {sc.loop_unroll_factor = 4 : i64, sc.parallel_access}
    "tpu.region"() ({
      %run_scoped3A = tpu.sem_alloc : memref<!tpu.dma_semaphore, #tpu.memory_space<semaphore_mem>>
      %dma_start3A = arith.constant 0 : i32
      %dma_start3A_7 = tpu.memref_slice %arg3[%mul3A_2, %dma_start3A] : memref<16384x16xf32, #tpu.memory_space<hbm>> -> memref<512x16xf32, #tpu.memory_space<hbm>>
      %dma_start3A_8 = arith.constant 0 : i32
      %dma_start3A_9 = tpu.memref_slice %arg3[%mul3A_2, %dma_start3A_8] : memref<16384x16xf32, #tpu.memory_space<hbm>> -> memref<512x16xf32, #tpu.memory_space<hbm>>
      tpu.enqueue_dma source(%arg6 : memref<512x16xf32, #tpu.memory_space<vmem>>) target(%dma_start3A_9 : memref<512x16xf32, #tpu.memory_space<hbm>>) target_semaphore(%run_scoped3A : memref<!tpu.dma_semaphore, #tpu.memory_space<semaphore_mem>>)
      %dma_wait3A = arith.constant 0 : i32
      %dma_wait3A_10 = tpu.memref_slice %arg3[%mul3A_2, %dma_wait3A] : memref<16384x16xf32, #tpu.memory_space<hbm>> -> memref<512x16xf32, #tpu.memory_space<hbm>>
      %dma_wait3A_11 = arith.constant 0 : i32
      %dma_wait3A_12 = tpu.memref_slice %arg3[%mul3A_2, %dma_wait3A_11] : memref<16384x16xf32, #tpu.memory_space<hbm>> -> memref<512x16xf32, #tpu.memory_space<hbm>>
      tpu.wait_dma2 semaphore(%run_scoped3A : memref<!tpu.dma_semaphore, #tpu.memory_space<semaphore_mem>>) src(%arg6 : memref<512x16xf32, #tpu.memory_space<vmem>>) dst(%dma_wait3A_12 : memref<512x16xf32, #tpu.memory_space<hbm>>)
      tpu.yield
    }) : () -> ()
    "tpu.region"() ({
      %run_scoped3A = tpu.sem_alloc : memref<!tpu.dma_semaphore, #tpu.memory_space<semaphore_mem>>
      %dma_start3A = arith.constant 0 : i32
      %dma_start3A_7 = tpu.memref_slice %arg4[%mul3A_2, %dma_start3A] : memref<16384x16xi32, #tpu.memory_space<hbm>> -> memref<512x16xi32, #tpu.memory_space<hbm>>
      %dma_start3A_8 = arith.constant 0 : i32
      %dma_start3A_9 = tpu.memref_slice %arg4[%mul3A_2, %dma_start3A_8] : memref<16384x16xi32, #tpu.memory_space<hbm>> -> memref<512x16xi32, #tpu.memory_space<hbm>>
      tpu.enqueue_dma source(%arg7 : memref<512x16xi32, #tpu.memory_space<vmem>>) target(%dma_start3A_9 : memref<512x16xi32, #tpu.memory_space<hbm>>) target_semaphore(%run_scoped3A : memref<!tpu.dma_semaphore, #tpu.memory_space<semaphore_mem>>)
      %dma_wait3A = arith.constant 0 : i32
      %dma_wait3A_10 = tpu.memref_slice %arg4[%mul3A_2, %dma_wait3A] : memref<16384x16xi32, #tpu.memory_space<hbm>> -> memref<512x16xi32, #tpu.memory_space<hbm>>
      %dma_wait3A_11 = arith.constant 0 : i32
      %dma_wait3A_12 = tpu.memref_slice %arg4[%mul3A_2, %dma_wait3A_11] : memref<16384x16xi32, #tpu.memory_space<hbm>> -> memref<512x16xi32, #tpu.memory_space<hbm>>
      tpu.wait_dma2 semaphore(%run_scoped3A : memref<!tpu.dma_semaphore, #tpu.memory_space<semaphore_mem>>) src(%arg7 : memref<512x16xi32, #tpu.memory_space<vmem>>) dst(%dma_wait3A_12 : memref<512x16xi32, #tpu.memory_space<hbm>>)
      tpu.yield
    }) : () -> ()
    return
  }
}

module attributes {stable_mosaic.version = 14 : i64} {
  func.func @_dense_block(%arg0: i32, %arg1: memref<512x4096xf32, #tpu.memory_space<vmem>>, %arg2: memref<4096x64xf32, #tpu.memory_space<vmem>>, %arg3: memref<1x64xf32, #tpu.memory_space<vmem>>, %arg4: memref<512x64xf32, #tpu.memory_space<vmem>>) attributes {dimension_semantics = [#tpu.dimension_semantics<arbitrary>], iteration_bounds = array<i64: 32>, scalar_prefetch = 0 : i64, scratch_operands = 0 : i64, tpu.core_type = #tpu.core_type<tc>, window_params = [{transform_indices = @transform_0, window_bounds = array<i64: 512, 4096>}, {pipeline_mode = #tpu.pipeline_mode<synchronous>, transform_indices = @transform_1, window_bounds = array<i64: 4096, 64>}, {pipeline_mode = #tpu.pipeline_mode<synchronous>, transform_indices = @transform_2, window_bounds = array<i64: 1, 64>}, {transform_indices = @transform_3, window_bounds = array<i64: 512, 64>}]} {
    %get3A = arith.constant 0 : index
    %get3A_0 = arith.constant 0 : index
    %get3A_1 = vector.load %arg1[%get3A, %get3A_0] : memref<512x4096xf32, #tpu.memory_space<vmem>>, vector<512x4096xf32>
    %get3A_2 = arith.constant 0 : index
    %get3A_3 = arith.constant 0 : index
    %get3A_4 = vector.load %arg2[%get3A_2, %get3A_3] : memref<4096x64xf32, #tpu.memory_space<vmem>>, vector<4096x64xf32>
    %dot_general3A = arith.constant dense<0.000000e+00> : vector<512x64xf32>
    %dot_general3A_5 = tpu.matmul %get3A_1, %get3A_4, %dot_general3A {dimension_numbers = #tpu.dot_dimension_numbers<[1], [0], [0], [1], [0, 0, 1, 1], [], []>, transpose_lhs_hint = false} : vector<512x4096xf32>, vector<4096x64xf32>, vector<512x64xf32> -> vector<512x64xf32>
    %get3A_6 = arith.constant 0 : index
    %get3A_7 = arith.constant 0 : index
    %get3A_8 = vector.load %arg3[%get3A_6, %get3A_7] : memref<1x64xf32, #tpu.memory_space<vmem>>, vector<1x64xf32>
    %add3A = vector.broadcast %get3A_8 : vector<1x64xf32> to vector<512x64xf32>
    %add3A_9 = arith.addf %dot_general3A_5, %add3A : vector<512x64xf32>
    %logistic3A = arith.negf %add3A_9 : vector<512x64xf32>
    %logistic3A_10 = math.exp %logistic3A : vector<512x64xf32>
    %logistic3A_11 = arith.constant 1.000000e+00 : f32
    %logistic3A_12 = vector.broadcast %logistic3A_11 : f32 to vector<512x64xf32>
    %logistic3A_13 = arith.addf %logistic3A_12, %logistic3A_10 : vector<512x64xf32>
    %logistic3A_14 = arith.divf %logistic3A_12, %logistic3A_13 : vector<512x64xf32>
    %swap3A = arith.constant 0 : index
    %swap3A_15 = arith.constant 0 : index
    %swap3A_16 = vector.load %arg4[%swap3A, %swap3A_15] : memref<512x64xf32, #tpu.memory_space<vmem>>, vector<512x64xf32>
    tpu.vector_store %arg4[%swap3A, %swap3A_15], %logistic3A_14 {strides = array<i32>} : memref<512x64xf32, #tpu.memory_space<vmem>>, vector<512x64xf32>,
    return
  }
  func.func @transform_0(%arg0: i32) -> (i32, i32) {
    %c0_i32 = arith.constant 0 : i32
    %c0_i32_0 = arith.constant 0 : i32
    return %arg0, %c0_i32 : i32, i32
  }
  func.func @transform_1(%arg0: i32) -> (i32, i32) {
    %c0_i32 = arith.constant 0 : i32
    %c0_i32_0 = arith.constant 0 : i32
    %c0_i32_1 = arith.constant 0 : i32
    return %c0_i32, %c0_i32_0 : i32, i32
  }
  func.func @transform_2(%arg0: i32) -> (i32, i32) {
    %c0_i32 = arith.constant 0 : i32
    %c0_i32_0 = arith.constant 0 : i32
    %c0_i32_1 = arith.constant 0 : i32
    return %c0_i32, %c0_i32_0 : i32, i32
  }
  func.func @transform_3(%arg0: i32) -> (i32, i32) {
    %c0_i32 = arith.constant 0 : i32
    %c0_i32_0 = arith.constant 0 : i32
    return %arg0, %c0_i32 : i32, i32
  }
}

</mosaic_0001>

<sc_bundles>
// kernel: kernel.4.cloned.1.call-start
scs
__scs_entry_jumppad:
0x0: {  	(pc) =	sbr.rel $0x88, $3  }
0x1: {  	(tag) =	ssettag $0x0;
	lr =	simm.s32 $0x1  }
0x2: {  	[smem:$0x3F9E] =	sst lr;
	_ =	strace $0xD0000000  }
0x3: {  	_ = 	snop  }
0x4: {  	_ = 	snop  }
0x5: {  	_ = 	snop  }
0x6: {  	_ = 	snop  }
0x7: {  	_ = 	snop  }
__scs_overlays_trampoline_lowered:
0x8: {  	[smem:$0x3FAD] =	sst s0  }
0x9: {  	[smem:$0x3FAE] =	sst s1  }
0xa: {  	[smem:$0x3FAF] =	sst s2  }
0xb: {  	[smem:$0x3FB0] =	sst s3  }
0xc: {  	[smem:$0x3FB1] =	sst s4  }
0xd: {  	[smem:$0x3FB2] =	sst s5  }
0xe: {  	[smem:$0x3FB3] =	sst s6  }
0xf: {  	[smem:$0x3FB4] =	sst s7  }
0x10: {  	[smem:$0x3FB5] =	sst s8  }
0x11: {  	[smem:$0x3FB6] =	sst s9;
	s0 =	simm.s32 @!p0 $0x0  }
0x12: {  	s1 =	sld [smem:$0x3F9C];
	s0 =	simm.s32 @p0 $0x1  }
0x13: {  	[smem:$0x3FB7] =	sst s0;
	s0 =	simm.s32 @!p1 $0x0  }
0x14: {  	s2 =	sld [smem:$0x3F9B];
	s0 =	simm.s32 @p1 $0x1  }
0x15: {  	[smem:$0x3FB8] =	sst s0;
	s0 =	simm.s32 @!p2 $0x0  }
0x16: {  	s3 =	sld [smem:$0x3FDB];
	s0 =	simm.s32 @p2 $0x1  }
0x17: {  	s4 =	simm.s32 $0x1BF5;
	[smem:$0x3FBA] =	sst s0  }
0x18: {  	s0 =	sld [smem:$0x3F9D];
	_ =	swait.ge [sflag:s4], $0x0  }
0x19: {  	s7 =	sld [smem:$0x3F9E]  }
0x1a: {  	s8 =	sadd.s32 $0xFFFFE003, lr  }
0x1b: {  	s9 =	sadd.s32 $0xFFFFFEF7, lr;
	s5 =	simm.s32 $0xFFFFFFFF;
	p2 =	slt.u32 s8, $0xFFFFF086  }
0x1c: {  	p1 =	slt.u32 s9, $0xF7A;
	s5 =	simm.s32 @!p2 $0x0  }
0x1d: {  	s5 =	simm.s32 @p1 $0x1;
	p0 =	seq.s32 s7, s2  }
0x1e: {  	s7 =	smul.u32 @!p0 $0xF7A, s2;
	p2 =	seq.s32 @!p0 s5, $0x0  }
0x1f: {  	s9 =	smul.u32 $0xF7A, s1;
	s8 =	simm.s32 @!p0 $0x1BF5;
	p2 =	por !p2, p0  }
0x20: {  	[sflag:s8] =	ssyncset.s32 @!p0 $0xFFFFF086;
	s6 =	sadd.s32 @!p0 s3, s7;
	s7 =	simm.s32 @!p0 $0x108  }
0x21: {  	s3 =	sadd.s32 s3, s9;
	s6 =	sadd.s32 @!p0 $0x88, s6;
	s7 =	simm.s32 @p2 $0x1082  }
0x22: {  	[simem:s7], [sflag:s8] =	dma.local @!p0 [hbm:s6], $0xF7A  }
0x23: {  	s9 =	sor.u32 $0xD0000000, s2;
	s6 =	simm.s32 $0x108;
	_ =	swait.ge @!p0 [sflag:s8], $0x0  }
0x24: {  	s3 =	sadd.s32 $0x88, s3;
	s6 =	simm.s32 @!p1 $0x1082;
	[sflag:s4] =	ssyncset.s32 $0xFFFFF086  }
0x25: {  	[simem:s6], [sflag:s4] =	dma.local [hbm:s3], $0xF7A  }
0x26: {  	[smem:$0x3F9E] =	sst s1;
	(tag) =	ssettag s2;
	_ =	strace s9  }
0x27: {  	s1 =	sld [smem:$0x3FAE]  }
0x28: {  	s2 =	sld [smem:$0x3FAF]  }
0x29: {  	s4 =	sld [smem:$0x3FB1]  }
0x2a: {  	p0 =	seq.s32 s5, $0x0;
	s5 =	sld [smem:$0x3FB2]  }
0x2b: {  	s6 =	sld [smem:$0x3FB3]  }
0x2c: {  	s7 =	sld [smem:$0x3FB4]  }
0x2d: {  	s3 =	simm.s32 $0x108;
	s8 =	sld [smem:$0x3FB5]  }
0x2e: {  	s3 =	simm.s32 @!p0 $0x1082;
	s9 =	sld [smem:$0x3FB6]  }
0x2f: {  	lr =	sadd.s32 s0, s3;
	s0 =	sld [smem:$0x3FAD]  }
0x30: {  	s3 =	sld [smem:$0x3FB0]  }
0x31: {  	[smem:$0x3FB9] =	sst s10  }
0x32: {  	s10 =	sld [smem:$0x3FB7];
	_ =	sdelay $0x3  }
0x33: {  	p0 =	seq.s32 s10, $0x1;
	s10 =	sld [smem:$0x3FB9];
	_ =	sdelay $0x3  }
0x34: {  	[smem:$0x3FB9] =	sst s10  }
0x35: {  	s10 =	sld [smem:$0x3FB8];
	_ =	sdelay $0x3  }
0x36: {  	p1 =	seq.s32 s10, $0x1;
	s10 =	sld [smem:$0x3FB9];
	_ =	sdelay $0x3  }
0x37: {  	[smem:$0x3FB9] =	sst s10  }
0x38: {  	s10 =	sld [smem:$0x3FBA]  }
0x39: {  	_ = 	snop;
	(pc) =	sbr.ind lr, $3  }
0x3a: {  	_ = 	snop  }
0x3b: {  	_ = 	snop  }
0x3c: {  	p2 =	seq.s32 s10, $0x1;
	s10 =	sld [smem:$0x3FB9]  }
0x3d: {  	_ =	shalt  }
0x3e: {  	_ =	shalt  }
0x3f: {  	_ =	shalt  }
0x40: {  	_ =	shalt  }
0x41: {  	_ =	shalt  }
0x42: {  	_ =	shalt  }
0x43: {  	_ =	shalt  }
0x44: {  	_ =	shalt  }
0x45: {  	_ =	shalt  }
0x46: {  	_ =	shalt  }
0x47: {  	_ =	shalt  }
0x48: {  	_ =	shalt  }
0x49: {  	_ =	shalt  }
0x4a: {  	_ =	shalt  }
0x4b: {  	_ =	shalt  }
0x4c: {  	_ =	shalt  }
0x4d: {  	_ =	shalt  }
0x4e: {  	_ =	shalt  }
0x4f: {  	_ =	shalt  }
0x50: {  	_ =	shalt  }
0x51: {  	_ =	shalt  }
0x52: {  	_ =	shalt  }
0x53: {  	_ =	shalt  }
0x54: {  	_ =	shalt  }
0x55: {  	_ =	shalt  }
0x56: {  	_ =	shalt  }
0x57: {  	_ =	shalt  }
0x58: {  	_ =	shalt  }
0x59: {  	_ =	shalt  }
0x5a: {  	_ =	shalt  }
0x5b: {  	_ =	shalt  }
0x5c: {  	_ =	shalt  }
0x5d: {  	_ =	shalt  }
0x5e: {  	_ =	shalt  }
0x5f: {  	_ =	shalt  }
0x60: {  	_ =	shalt  }
0x61: {  	_ =	shalt  }
0x62: {  	_ =	shalt  }
0x63: {  	_ =	shalt  }
0x64: {  	_ =	shalt  }
0x65: {  	_ =	shalt  }
0x66: {  	_ =	shalt  }
0x67: {  	_ =	shalt  }
0x68: {  	_ =	shalt  }
0x69: {  	_ =	shalt  }
0x6a: {  	_ =	shalt  }
0x6b: {  	_ =	shalt  }
0x6c: {  	_ =	shalt  }
0x6d: {  	_ =	shalt  }
0x6e: {  	_ =	shalt  }
0x6f: {  	_ =	shalt  }
0x70: {  	_ =	shalt  }
0x71: {  	_ =	shalt  }
0x72: {  	_ =	shalt  }
0x73: {  	_ =	shalt  }
0x74: {  	_ =	shalt  }
0x75: {  	_ =	shalt  }
0x76: {  	_ =	shalt  }
0x77: {  	_ =	shalt  }
0x78: {  	_ =	shalt  }
0x79: {  	_ =	shalt  }
0x7a: {  	_ =	shalt  }
0x7b: {  	_ =	shalt  }
0x7c: {  	_ =	shalt  }
0x7d: {  	_ =	shalt  }
0x7e: {  	_ =	shalt  }
0x7f: {  	_ =	shalt  }
0x80: {  	_ =	shalt  }
0x81: {  	_ =	shalt  }
0x82: {  	_ =	shalt  }
0x83: {  	_ =	shalt  }
0x84: {  	_ =	shalt  }
0x85: {  	_ =	shalt  }
0x86: {  	_ =	shalt  }
0x87: {  	_ =	shalt  }
.Lfunc_end0:
.L_simem_size_0:
called_computation_lowered:
.L_overlay_start_0:
0x88: {  	s2 =	sld [smem:$0x3FD9]  }
0x89: {  	s3 =	sld [smem:$0x3FFE];
	_ =	sdelay $0x1  }
0x8a: {  	s1 =	srdreg.scid  }
0x8b: {  	s0 =	sand.u32 $0x1, s1  }
0x8c: {  	s16 =	sshll.u32 s0, $0xA;
	s2 =	sadd.s32 s3, s2  }
0x8d: {  	s2 =	sadd.s32 s2, s16  }
0x8e: {  	[smem:$0x3FC5] =	sst s2  }
0x8f: {  	_ = 	snop  }
0x90: {  	(tm) =	ssettm $0x1  }
0x91: {  	s17 =	sld [smem:$0x3FFB];
	_ =	sdelay $0x3  }
0x92: {  	_ =	strace s17  }
0x93: {  	s2 =	sld [smem:$0x3FFC];
	_ =	sdelay $0x3  }
0x94: {  	_ =	strace s2  }
0x95: {  	s2 =	sld [smem:$0x3FFD];
	_ =	sdelay $0x3  }
0x96: {  	_ =	strace s2  }
0x97: {  	_ =	strace $0x8FFFFFFF  }
0x98: {  	s18 =	sld [smem:$0x3FDB];
	_ =	sdelay $0x1  }
0x99: {  	s19 =	simm.s32 $_scs_section_size  }
0x9a: {  	s4 =	simm.s32 $_size__tile_overlayer_lowered;
	s5 =	simm.s32 $_tile_overlayer_lowered  }
0x9b: {  	s22 =	simm.s32 $0x1BFF;
	s21 =	sshll.u32 s5, $0x1;
	s2 =	sadd.s32 s19, s18  }
0x9c: {  	s6 =	simm.s32 $0x0;
	s20 =	sshll.u32 s4, $0x1;
	s4 =	sadd.s32 s21, s2  }
0x9d: {  	[timem:s6], [sflag:s22] =	dma.local [hbm:s4], s20  }
0x9e: {  	_ =	swait.ge [sflag:s22], s20  }
0x9f: {  	s3 =	ssub.s32 $0x0, s20;
	[sflag:s22] =	ssyncset.done $0x0  }
0xa0: {  	[sflag:s22] =	ssyncadd.s32 s3;
	_ =	sdelay $0x1  }
0xa1: {  	s23 =	simm.s32 $0x1B8B  }
0xa2: {  	_ =	swait.ge [sflag:s23], $0x1  }
0xa3: {  	[sflag:s23] =	ssyncset.done $0x0  }
0xa4: {  	s25 =	simm.s32 $0x1B8E;
	s24 =	sld [smem:$0x3FFE];
	[sflag:s23] =	ssyncadd.s32 $0xFFFFFFFF  }
0xa5: {  	s26 =	simm.s32 $execute0_lowered;
	[smem:$0x3FD2] =	sst s25  }
0xa6: {  	s4 =	sshll.u32 s26, $0x1;
	_ =	strace $0x80000046;
	[dreg:$0x1] =	wrdreg $0xFFFFFFFF  }
0xa7: {  	s28 =	simm.s32 $_size_execute0_lowered;
	s2 =	sadd.s32 s2, s4;
	[dreg:$0x0] =	wrdreg $0x0  }
0xa8: {  	s4 =	sshll.u32 s28, $0x1;
	[dreg:$0x2] =	wrdreg s2  }
0xa9: {  	[dreg:$0x3] =	wrdreg s4  }
0xaa: {  	[dreg:$0x4] =	wrdreg $0xC0  }
0xab: {  	_ =	task [dreg:s6], $0x5FFFF  }
0xac: {  	[dreg:$0x1] =	wrdreg $0xFFFFFFFF  }
0xad: {  	[dreg:$0x0] =	wrdreg $0x60  }
0xae: {  	[dreg:$0x2] =	wrdreg s24  }
0xaf: {  	[dreg:$0x3] =	wrdreg $0x9  }
0xb0: {  	_ =	task.clear_ibuf [dreg:s6], $0x4FFFF;
	_ =	strace $0x90000046  }
0xb1: {  	s29 =	simm.s32 $0x9;
	_ =	strace $0x80000048  }
0xb2: {  	_ =	swait.ge [sflag:s29], $0x1  }
0xb3: {  	[sflag:s29] =	ssyncadd.s32 $0xFFFFFFFF  }
0xb4: {  	_ =	strace $0x90000048  }
0xb5: {  	_ =	sfence  }
0xb6: {  	s30 =	sld [smem:$0x0];
	_ =	sdelay $0x2  }
0xb7: {  	s31 =	sshll.u32 s1, $0xD;
	s1 =	sshrl.u32 s1, $0x2  }
0xb8: {  	s3 =	sand.u32 $0x4000, s31;
	s1 =	sadd.s32 s1, s30  }
0xb9: {  	s0 =	sor.u32 s3, s0;
	s1 =	sshll.u32 s1, $0x11  }
0xba: {  	s0 =	sor.u32 s1, s0  }
0xbb: {  	s0 =	sadd.s32 $0x8F2B, s0  }
0xbc: {  	[sflag:s0] =	ssyncadd.remote.s32 $0x1  }
0xbd: {  	_ =	sfence.sel $0xFFFF  }
0xbe: {  	[dreg:$0x0] =	wrdreg $0xFFFFFFFF;
	(pc) =	sbr.abs _section_cstart, $3  }
0xbf: {  	[dreg:$0x1] =	wrdreg $0xFFFFFFFF  }
0xc0: {  	_ =	task.clear_ibuf [dreg:s6], $0x2FFFF;
	_ =	strace $0x9FFFFFFF  }
0xc1: {  	(tm) =	ssettm $0x7FFFFFFF  }
tec
execute0_lowered:
.L_overlay_start_1:
0x0: {  	(tag) =	ssettag $0x1  }
0x1: {  	s3 =	rddreg [dreg:$0x0]  }
0x2: {  	s0 =	rddreg [dreg:$0x1]  }
0x3: {  	s4 =	srdreg.scid;
	s2 =	simm.s32 $0x0;
	s1 =	stileid.u32  }
0x4: {  	s8 =	simm.s32 $0x8000;
	s9 =	simm.s32 $0xA000;
	s4 =	sand.u32 $0x1, s4  }
0x5: {  	[smem:$0x7FF] =	sst s2;
	s5 =	sshll.u32 s1, $0xA;
	s6 =	sshll.u32 s4, $0x9  }
0x6: {  	s10 =	simm.s32 $0x0;
	_ =	strace $0x80000047;
	s5 =	sor.u32 s6, s5  }
0x7: {  	s4 =	ssub.s32 $0x2, s4;
	s6 =	sshll.u32 s5, $0x3;
	s5 =	sshll.u32 s5, $0x1  }
0x8: {  	s31 =	sshrl.u32 s4, $0x1;
	s6 =	sadd.s32 s6, s3;
	s5 =	sadd.s32 s5, s3  }
0x9: {  	v0 =	vlaneseq.u32;
	vm0 =	vmmov $0xff;
	s7 =	ssub.s32 s4, s31;
	s3 =	sadd.s32 $0xC00, s6;
	s4 =	sadd.s32 $0x28C00, s5  }
0xa: {  	v1 =	vor.u32 $0x10, v0;
	v2 =	vor.u32 $0x20, v0;
	v3 =	vor.u32 $0x30, v0;
	s5 =	sadd.s32 $0x20C00, s5;
	s6 =	smax.u32 s7, $0x1;
	s7 =	simm.s32 $0x1  }
.LBB2_1:
0xb: {  	[tilespmem:s2], [sflag:$0x1] =	stream.linear.gather [hbm4b:s3+s2], $0x8000, $0x38;
	[tilespmem:$0xC000] =	vst v63  }
0xc: {  	_ =	swait.ge [sflag:s7], $0x8000  }
0xd: {  	[sflag:s7] =	ssyncset.done $0x0  }
0xe: {  	s11 =	simm.s32 $0x80;
	[sflag:s7] =	ssyncadd.s32 $0xFFFF8000  }
0xf: {  	v4 =	vld [tilespmem:s11+$0x60]  }
0x10: {  	v5 =	vld [tilespmem:s11+$0x70]  }
0x11: {  	v6 =	vld [tilespmem:s11+$0x50]  }
0x12: {  	v7 =	vld [tilespmem:s11+$0x40]  }
0x13: {  	v8 =	vld [tilespmem:s11+$0x30]  }
0x14: {  	v9 =	vld [tilespmem:s11+$0x20];
	(xrf1) =	vsort.dscd.msk.f32 $0xffff, v4, v2  }
0x15: {  	v4 =	vld [tilespmem:s11+$0xFFFFFFE0];
	(xrf1) =	vsort.ascd.msk.f32 $0xffff, v5, v3  }
0x16: {  	v5 =	vld [tilespmem:s11+$0x0];
	(xrf1) =	vsort.ascd.msk.f32 $0xffff, v6, v1  }
0x17: {  	v6 =	vld [tilespmem:s11+$0x10];
	(xrf1) =	vsort.dscd.msk.f32 $0xffff, v7, v0  }
0x18: {  	v7 =	vld [tilespmem:s11+$0xFFFFFFF0];
	(xrf1) =	vsort.ascd.msk.f32 $0xffff, v8, v3  }
0x19: {  	v8 =	vld [tilespmem:s11+$0xFFFFFFB0];
	(xrf1) =	vsort.dscd.msk.f32 $0xffff, v9, v2  }
0x1a: {  	v9 =	vld [tilespmem:s11+$0xFFFFFFD0];
	(xrf1) =	vsort.dscd.msk.f32 $0xffff, v4, v2  }
0x1b: {  	v4 =	vld [tilespmem:s11+$0xFFFFFFC0];
	(xrf1) =	vsort.dscd.msk.f32 $0xffff, v5, v0  }
0x1c: {  	v5 =	vld [tilespmem:s11+$0xFFFFFFA0];
	(xrf1) =	vsort.ascd.msk.f32 $0xffff, v6, v1  }
0x1d: {  	v6 =	vld [tilespmem:s11+$0xFFFFFF90];
	(xrf1) =	vsort.ascd.msk.f32 $0xffff, v7, v3  }
0x1e: {  	v7 =	vld [tilespmem:s11+$0xFFFFFF80];
	(xrf1) =	vsort.ascd.msk.f32 $0xffff, v8, v3  }
0x1f: {  	(xrf1) =	vsort.ascd.msk.f32 $0xffff, v9, v1  }
0x20: {  	(xrf1) =	vsort.dscd.msk.f32 $0xffff, v4, v0  }
0x21: {  	(xrf1) =	vsort.dscd.msk.f32 $0xffff, v5, v2  }
0x22: {  	v4, v5, _ =	vpop (xrf1);
	(xrf1) =	vsort.ascd.msk.f32 $0xffff, v6, v1  }
0x23: {  	v6, v8, _ =	vpop (xrf1);
	(xrf1) =	vsort.dscd.msk.f32 $0xffff, v7, v0  }
0x24: {  	v7, v9, _ =	vpop (xrf1)  }
0x25: {  	v10, v11, _ =	vpop (xrf1)  }
0x26: {  	v12, v13, _ =	vpop (xrf1)  }
0x27: {  	v14, v15, _ =	vpop (xrf1)  }
0x28: {  	vm2 =	vge.f32 v4, v6;
	v16, v17, _ =	vpop (xrf1)  }
0x29: {  	v5 =	vsel vm2, v5, v8;
	v18, v19, _ =	vpop (xrf1)  }
0x2a: {  	v4 =	vsel vm2, v4, v6;
	v20, v21, _ =	vpop (xrf1)  }
0x2b: {  	vm1 =	vge.f32 v10, v7;
	(xrf1) =	vsort.ascd.msk.f32 $0xffff, v4, v5;
	v22, v23, _ =	vpop (xrf1)  }
0x2c: {  	v7 =	vsel vm1, v10, v7;
	v9 =	vsel vm1, v11, v9;
	v6, v8, _ =	vpop (xrf1);
	vm1 =	vge.f32 v16, v22  }
0x2d: {  	s30 =	simm.s32 $0x180;
	(xrf1) =	vsort.dscd.msk.f32 $0xffff, v7, v9;
	v4, v5, _ =	vpop (xrf1);
	v9 =	vsel vm1, v17, v23  }
0x2e: {  	v7 =	vsel vm1, v16, v22;
	v16 =	vld [tilespmem:s30+$0x60];
	v10, v11, _ =	vpop (xrf1)  }
0x2f: {  	(xrf1) =	vsort.ascd.msk.f32 $0xffff, v7, v9;
	vm1 =	vge.f32 v10, v4;
	v17, v22, _ =	vpop (xrf1)  }
0x30: {  	v7 =	vld [tilespmem:s30+$0x70];
	vm2 =	vge.f32 v17, v6;
	v4 =	vsel vm1, v10, v4;
	v5 =	vsel vm1, v11, v5;
	v9, v10, _ =	vpop (xrf1)  }
0x31: {  	v11 =	vld [tilespmem:s30+$0x50];
	v6 =	vsel vm2, v17, v6;
	v8 =	vsel vm2, v22, v8;
	v17, v22, _ =	vpop (xrf1);
	(xrf1) =	vsort.dscd.msk.f32 $0xffff, v4, v5  }
0x32: {  	v4 =	vld [tilespmem:s30+$0x40];
	vm1 =	vge.f32 v17, v9;
	(xrf1) =	vsort.ascd.msk.f32 $0xffff, v6, v8  }
0x33: {  	v6 =	vsel vm1, v17, v9;
	v8 =	vsel vm1, v22, v10;
	(xrf1) =	vsort.dscd.msk.f32 $0xffff, v16, v2  }
0x34: {  	v5 =	vld [tilespmem:s30+$0x30];
	(xrf1) =	vsort.dscd.msk.f32 $0xffff, v6, v8  }
0x35: {  	v9 =	vld [tilespmem:s30+$0x20];
	(xrf1) =	vsort.ascd.msk.f32 $0xffff, v7, v3  }
0x36: {  	v6 =	vld [tilespmem:s30+$0xFFFFFFE0];
	(xrf1) =	vsort.ascd.msk.f32 $0xffff, v11, v1  }
0x37: {  	v7 =	vld [tilespmem:s30+$0x0];
	(xrf1) =	vsort.dscd.msk.f32 $0xffff, v4, v0  }
0x38: {  	v8 =	vld [tilespmem:s30+$0x10]  }
0x39: {  	v4 =	vld [tilespmem:s30+$0xFFFFFFF0];
	(xrf1) =	vsort.ascd.msk.f32 $0xffff, v5, v3  }
0x3a: {  	v5 =	vld [tilespmem:s30+$0xFFFFFFB0];
	(xrf1) =	vsort.dscd.msk.f32 $0xffff, v9, v2  }
0x3b: {  	v9 =	vld [tilespmem:s30+$0xFFFFFFD0];
	(xrf1) =	vsort.dscd.msk.f32 $0xffff, v6, v2  }
0x3c: {  	v6 =	vld [tilespmem:s30+$0xFFFFFFC0];
	(xrf1) =	vsort.dscd.msk.f32 $0xffff, v7, v0;
	v7, v10, _ =	vpop (xrf1)  }
0x3d: {  	v11 =	vld [tilespmem:s30+$0xFFFFFFA0];
	(xrf1) =	vsort.ascd.msk.f32 $0xffff, v8, v1;
	v8, v16, _ =	vpop (xrf1)  }
0x3e: {  	v17 =	vld [tilespmem:s30+$0xFFFFFF90];
	(xrf1) =	vsort.ascd.msk.f32 $0xffff, v4, v3;
	v22, v23, _ =	vpop (xrf1)  }
0x3f: {  	v4 =	vld [tilespmem:s30+$0xFFFFFF80];
	(xrf1) =	vsort.ascd.msk.f32 $0xffff, v5, v3;
	v5, v24, _ =	vpop (xrf1)  }
0x40: {  	vm1 =	vge.f32 v8, v7;
	(xrf1) =	vsort.ascd.msk.f32 $0xffff, v9, v1;
	v9, v25, _ =	vpop (xrf1)  }
0x41: {  	v7 =	vsel vm1, v8, v7;
	v8 =	vsel vm1, v16, v10;
	(xrf1) =	vsort.dscd.msk.f32 $0xffff, v6, v0;
	v6, v26, _ =	vpop (xrf1)  }
0x42: {  	(xrf1) =	vsort.dscd.msk.f32 $0xffff, v11, v2;
	v11, v27, _ =	vpop (xrf1)  }
0x43: {  	(xrf1) =	vsort.ascd.msk.f32 $0xffff, v17, v1;
	v10, v16, _ =	vpop (xrf1)  }
0x44: {  	vm1 =	vge.f32 v14, v12;
	(xrf1) =	vsort.dscd.msk.f32 $0xffff, v4, v0;
	v4, v17, _ =	vpop (xrf1)  }
0x45: {  	vm2 =	vge.f32 v18, v20;
	v12 =	vsel vm1, v14, v12;
	(xrf1) =	vsort.dscd.msk.f32 $0xffff, v7, v8;
	v7, v8, _ =	vpop (xrf1)  }
0x46: {  	v18 =	vsel vm2, v18, v20;
	v13 =	vsel vm1, v15, v13;
	vm1 =	vge.f32 v7, v4  }
0x47: {  	v14, v28, _ =	vpop (xrf1);
	v4 =	vsel vm1, v7, v4;
	v8 =	vsel vm1, v8, v17;
	vm1 =	vge.f32 v6, v10  }
0x48: {  	v20, v29, _ =	vpop (xrf1);
	v6 =	vsel vm1, v6, v10;
	v10 =	vsel vm1, v26, v16  }
0x49: {  	(xrf1) =	vsort.ascd.msk.f32 $0xffff, v12, v13;
	v7, v12, _ =	vpop (xrf1)  }
0x4a: {  	v15 =	vsel vm2, v19, v21;
	v13, v17, _ =	vpop (xrf1)  }
0x4b: {  	(xrf1) =	vsort.dscd.msk.f32 $0xffff, v18, v15;
	vm1 =	vge.f32 v11, v9;
	v16, v18, _ =	vpop (xrf1)  }
0x4c: {  	vm2 =	vge.f32 v5, v22;
	(xrf1) =	vsort.ascd.msk.f32 $0xffff, v6, v10;
	v6 =	vsel vm1, v11, v9;
	v9, v10, _ =	vpop (xrf1)  }
0x4d: {  	v5 =	vsel vm2, v5, v22;
	v11 =	vsel vm1, v27, v25;
	(xrf1) =	vsort.dscd.msk.f32 $0xffff, v4, v8;
	v4, v8, _ =	vpop (xrf1)  }
0x4e: {  	v15 =	vsel vm2, v24, v23;
	vm1 =	vge.f32 v7, v9;
	v19, v21, _ =	vpop (xrf1);
	(xrf1) =	vsort.dscd.msk.f32 $0xffff, v6, v11  }
0x4f: {  	s31 =	simm.s32 $0x280;
	v6 =	vsel vm1, v7, v9;
	v7 =	vsel vm1, v12, v10;
	v9, v10, _ =	vpop (xrf1);
	(xrf1) =	vsort.dscd.msk.f32 $0xffff, v5, v15  }
0x50: {  	v5 =	vld [tilespmem:s31+$0x60];
	vm1 =	vge.f32 v9, v19;
	v11, v12, _ =	vpop (xrf1);
	(xrf1) =	vsort.ascd.msk.f32 $0xffff, v6, v7  }
0x51: {  	vm2 =	vge.f32 v11, v4;
	v6 =	vsel vm1, v9, v19;
	v7 =	vsel vm1, v10, v21;
	v9, v10, _ =	vpop (xrf1)  }
0x52: {  	v4 =	vsel vm2, v11, v4;
	v8 =	vsel vm2, v12, v8;
	v11, v12, _ =	vpop (xrf1)  }
0x53: {  	(xrf1) =	vsort.dscd.msk.f32 $0xffff, v6, v7;
	vm1 =	vge.f32 v11, v9  }
0x54: {  	v21 =	vld [tilespmem:s31+$0x70];
	(xrf1) =	vsort.ascd.msk.f32 $0xffff, v4, v8;
	v19, v15, _ =	vpop (xrf1);
	v8 =	vsel vm1, v11, v9;
	v9 =	vsel vm1, v12, v10  }
0x55: {  	v6 =	vld [tilespmem:s31+$0x50];
	(xrf1) =	vsort.dscd.msk.f32 $0xffff, v5, v2;
	v5 =	vnsel vm0, $0x0, v19  }
0x56: {  	v4 =	vld [tilespmem:s31+$0x40];
	(xrf2) =	vadd.scan.msk.f32 $0xffff, v5  }
0x57: {  	v7 =	vld [tilespmem:s31+$0x30]  }
0x58: {  	(xrf1) =	vsort.dscd.msk.f32 $0xffff, v8, v9;
	v8, v9, _ =	vpop (xrf1)  }
0x59: {  	v5 =	vld [tilespmem:s31+$0x20];
	(xrf1) =	vsort.ascd.msk.f32 $0xffff, v21, v3;
	v10, v11, _ =	vpop (xrf1)  }
0x5a: {  	v12 =	vld [tilespmem:s31+$0xFFFFFFE0];
	(xrf1) =	vsort.ascd.msk.f32 $0xffff, v6, v1;
	vm1 =	vge.f32 v10, v8  }
0x5b: {  	v21 =	vld [tilespmem:s31+$0x0];
	(xrf1) =	vsort.dscd.msk.f32 $0xffff, v4, v0;
	v4 =	vsel vm1, v10, v8  }
0x5c: {  	v22 =	vld [tilespmem:s31+$0x10];
	(xrf1) =	vsort.ascd.msk.f32 $0xffff, v7, v3;
	v6 =	vsel vm1, v11, v9  }
0x5d: {  	v8 =	vld [tilespmem:s31+$0xFFFFFFF0];
	v9, v10, _ =	vpop (xrf1);
	(xrf1) =	vsort.dscd.msk.f32 $0xffff, v4, v6  }
0x5e: {  	v24 =	vld [tilespmem:s31+$0xFFFFFFB0];
	v11, v23, _ =	vpop (xrf1);
	(xrf1) =	vsort.dscd.msk.f32 $0xffff, v5, v2  }
0x5f: {  	v25 =	vld [tilespmem:s31+$0xFFFFFFD0];
	v5, v4, _ =	vpop (xrf1);
	(xrf1) =	vsort.dscd.msk.f32 $0xffff, v12, v2  }
0x60: {  	v12 =	vld [tilespmem:s31+$0xFFFFFFC0];
	v30, _, _ =	vpop (xrf2);
	(xrf1) =	vsort.dscd.msk.f32 $0xffff, v21, v0  }
0x61: {  	v6, v7, _ =	vpop (xrf1);
	v21 =	vld [tilespmem:s31+$0xFFFFFFA0];
	(xrf1) =	vsort.ascd.msk.f32 $0xffff, v22, v1  }
0x62: {  	v26, v27, _ =	vpop (xrf1);
	v22 =	vld [tilespmem:s31+$0xFFFFFF90];
	(xrf1) =	vsort.ascd.msk.f32 $0xffff, v8, v3  }
0x63: {  	v8 =	vld [tilespmem:s31+$0xFFFFFF80];
	v31, v32, _ =	vpop (xrf1);
	(xrf1) =	vsort.ascd.msk.f32 $0xffff, v24, v3  }
0x64: {  	v33, v34, _ =	vpop (xrf1);
	(xrf1) =	vsort.ascd.msk.f32 $0xffff, v25, v1  }
0x65: {  	v25, v35, _ =	vpop (xrf1);
	(xrf1) =	vsort.dscd.msk.f32 $0xffff, v12, v0  }
0x66: {  	vm1 =	vge.f32 v20, v14;
	v12, v36, _ =	vpop (xrf1);
	(xrf1) =	vsort.dscd.msk.f32 $0xffff, v21, v2  }
0x67: {  	v14 =	vsel vm1, v20, v14;
	v21, v37, _ =	vpop (xrf1);
	(xrf1) =	vsort.ascd.msk.f32 $0xffff, v22, v1  }
0x68: {  	v20 =	vsel vm1, v29, v28;
	vm2 =	vge.f32 v11, v9;
	(xrf1) =	vsort.dscd.msk.f32 $0xffff, v8, v0;
	v8, v22, _ =	vpop (xrf1)  }
0x69: {  	vm3 =	vge.f32 v13, v16;
	v9 =	vsel vm2, v11, v9;
	v10 =	vsel vm2, v23, v10;
	v11, v23, _ =	vpop (xrf1)  }
0x6a: {  	(xrf1) =	vsort.dscd.msk.f32 $0xffff, v9, v10;
	v10 =	vsel vm3, v17, v18;
	v28, v29, _ =	vpop (xrf1)  }
0x6b: {  	v9 =	vsel vm3, v13, v16;
	(xrf1) =	vsort.ascd.msk.f32 $0xffff, v14, v20;
	v20, v24, _ =	vpop (xrf1)  }
0x6c: {  	vm1 =	vge.f32 v25, v21;
	(xrf1) =	vsort.dscd.msk.f32 $0xffff, v9, v10;
	v14, v38, _ =	vpop (xrf1);
	v9 =	vnsel vm0, $0x0, v20  }
0x6d: {  	v16 =	vsel vm1, v35, v37;
	v10, v13, _ =	vpop (xrf1);
	(xrf2) =	vadd.scan.msk.f32 $0xffff, v9;
	v9 =	vsel vm1, v25, v21  }
0x6e: {  	v17 =	vnsel vm0, $0x0, v6;
	vm2 =	vge.f32 v11, v8;
	v18, v21, _ =	vpop (xrf1);
	(xrf1) =	vsort.ascd.msk.f32 $0xffff, v9, v16  }
0x6f: {  	v8 =	vsel vm2, v11, v8;
	v11 =	vsel vm2, v23, v22;
	vm2 =	vge.f32 v12, v33;
	(xrf2) =	vadd.scan.msk.f32 $0xffff, v17;
	v22, v23, _ =	vpop (xrf1)  }
0x70: {  	vm1 =	vge.f32 v31, v26;
	v9 =	vbroadcast v30, $0xF;
	(xrf1) =	vsort.dscd.msk.f32 $0xffff, v8, v11;
	v11 =	vsel vm2, v36, v34;
	v16, v25, _ =	vpop (xrf1)  }
0x71: {  	v26 =	vsel vm1, v31, v26;
	v8 =	vsel vm2, v12, v33;
	v12, v30, _ =	vpop (xrf1)  }
0x72: {  	v17 =	vsel vm1, v32, v27;
	(erf) = vrcp.f32 v9;
	vm1 =	vge.f32 v10, v16;
	v27, v31, _ =	vpop (xrf1)  }
0x73: {  	(xrf1) =	vsort.dscd.msk.f32 $0xffff, v8, v11;
	v8 =	vsel vm1, v10, v16;
	v10 =	vsel vm1, v13, v25;
	v11, v13, _ =	vpop (xrf1)  }
0x74: {  	s15 =	simm.s32 $0x380;
	(xrf1) =	vsort.dscd.msk.f32 $0xffff, v26, v17;
	vm1 =	vge.f32 v11, v27  }
0x75: {  	v9 =	vnsel vm0, $0x0, v5;
	v16 =	vld [tilespmem:s15+$0x60];
	v17, v25, _ =	vpop (xrf1);
	(xrf1) =	vsort.ascd.msk.f32 $0xffff, v8, v10;
	v8 =	vsel vm1, v11, v27  }
0x76: {  	(xrf2) =	vadd.scan.msk.f32 $0xffff, v9;
	v10, v26, _ =	vpop (xrf1);
	vm2 =	vge.f32 v17, v12;
	v9 =	vsel vm1, v13, v31  }
0x77: {  	v12 =	vsel vm2, v17, v12;
	v17 =	vsel vm2, v25, v30;
	(xrf1) =	vsort.dscd.msk.f32 $0xffff, v8, v9;
	v25, _, _ =	vpop (xrf2)  }
0x78: {  	v11, v13, _ =	vpop (xrf1);
	(xrf1) =	vsort.ascd.msk.f32 $0xffff, v12, v17;
	v17 =	vld [tilespmem:s15+$0x70];
	v12 =	vbroadcast v25, $0xF  }
0x79: {  	v30 =	vld [tilespmem:s15+$0x50];
	v9, v8, _ =	vpop (xrf1)  }
0x7a: {  	vm1 =	vge.f32 v11, v10;
	v57, _, _ =	vpop (xrf2);
	(xrf1) =	vsort.dscd.msk.f32 $0xffff, v16, v2;
	v16 =	vnsel vm0, $0x0, v9;
	(erf) = vrcp.f32 v12;
	v12 =	vld [tilespmem:s15+$0x40]  }
0x7b: {  	v58 =	vld [tilespmem:s15+$0x30];
	v10 =	vsel vm1, v11, v10;
	v11 =	vsel vm1, v13, v26;
	v26 =	vpop (erf);
	(xrf2) =	vadd.scan.msk.f32 $0xffff, v16  }
0x7c: {  	v25, v27, _ =	vpop (xrf1);
	(xrf1) =	vsort.dscd.msk.f32 $0xffff, v10, v11  }
0x7d: {  	vm2 =	vge.f32 v18, v22;
	vm1 =	vge.f32 v14, v28;
	v31, v56, _ =	vpop (xrf1);
	(xrf1) =	vsort.ascd.msk.f32 $0xffff, v17, v3  }
0x7e: {  	v61 =	vld [tilespmem:s15+$0x20];
	v16 =	vsel vm2, v18, v22;
	v18 =	vsel vm2, v21, v23;
	v59, v60, _ =	vpop (xrf1);
	(xrf1) =	vsort.ascd.msk.f32 $0xffff, v30, v1  }
0x7f: {  	v41 =	vld [tilespmem:s15+$0x0];
	v17 =	vsel vm1, v14, v28;
	vm2 =	vge.f32 v31, v25;
	v39, v40, _ =	vpop (xrf1);
	(xrf1) =	vsort.dscd.msk.f32 $0xffff, v12, v0  }
0x80: {  	v28 =	vld [tilespmem:s15+$0xFFFFFFE0];
	v30, _, _ =	vpop (xrf2);
	v21 =	vsel vm2, v31, v25;
	v25 =	vsel vm2, v56, v27;
	(xrf1) =	vsort.ascd.msk.f32 $0xffff, v58, v3  }
0x81: {  	v42 =	vld [tilespmem:s15+$0x10];
	v19 =	vmul.f32 v26, v19;
	v12, v11, _ =	vpop (xrf1);
	(xrf1) =	vsort.dscd.msk.f32 $0xffff, v21, v25;
	v25 =	vbroadcast v57, $0xF  }
0x82: {  	v37 =	vld [tilespmem:s15+$0xFFFFFFA0];
	v63 =	vbroadcast v30, $0xF;
	v14, v10, _ =	vpop (xrf1)  }
0x83: {  	v27 =	vld [tilespmem:s15+$0xFFFFFFF0];
	v23, v22, _ =	vpop (xrf1);
	(erf) = vrcp.f32 v25  }
0x84: {  	s13 =	simm.s32 $0x8020;
	v36 =	vld [tilespmem:s15+$0xFFFFFFB0];
	(xrf1) =	vsort.dscd.msk.f32 $0xffff, v61, v2;
	v26 =	vpop (erf);
	(erf) = vrcp.f32 v63  }
0x85: {  	s14 =	simm.s32 $0xA020;
	v32 =	vld [tilespmem:s15+$0xFFFFFFD0];
	[tilespmem:s13+$0x10] =	vst v19;
	vm2 =	vge.f32 v39, v59;
	(xrf1) =	vsort.dscd.msk.f32 $0xffff, v28, v2;
	v62 =	vmul.f32 v26, v20;
	v19, _, _ =	vpop (xrf2)  }
0x86: {  	v33 =	vld [tilespmem:s15+$0xFFFFFFC0];
	[tilespmem:s14+$0x10] =	vst v15;
	v31 =	vsel vm2, v40, v60;
	v21 =	vsel vm1, v38, v29;
	(xrf1) =	vsort.dscd.msk.f32 $0xffff, v41, v0;
	v26, v25, _ =	vpop (xrf1)  }
0x87: {  	s17 =	simm.s32 $0xC;
	s12 =	simm.s32 $0x8060;
	s18 =	simm.s32 $0x480;
	v13 =	vld [tilespmem:s15+$0xFFFFFF80];
	v29 =	vsel vm2, v39, v59;
	v15 =	vnsel vm0, $0x0, v12;
	(xrf1) =	vsort.ascd.msk.f32 $0xffff, v42, v1;
	[tilespmem:s13+$0x0] =	vst v62;
	v30, v28, _ =	vpop (xrf1)  }
0x88: {  	s16 =	simm.s32 $0x8060;
	s11 =	simm.s32 $0xA060;
	v38 =	vld [tilespmem:s15+$0xFFFFFF90];
	s15 =	simm.s32 $0xA060;
	v20 =	vnsel vm0, $0x0, v14;
	v19 =	vbroadcast v19, $0xF;
	(xrf1) =	vsort.ascd.msk.f32 $0xffff, v27, v3;
	[tilespmem:s14+$0x0] =	vst v24;
	v35, v34, _ =	vpop (xrf1)  }
.LBB2_2:
0x89: {  	v24 =	vld [tilespmem:s18+$0xFFFFFF80];
	s17 =	sadd.s32 $0x4, s17;
	(xrf1) =	vsort.ascd.msk.f32 $0xffff, v36, v3;
	s11 =	sadd.s32 $0x40, s11;
	s12 =	sadd.s32 $0x40, s12  }
0x8a: {  	p0 =	slt.u32 s17, $0x1FC;
	(xrf1) =	vsort.ascd.msk.f32 $0xffff, v32, v1;
	v32, v36, _ =	vpop (xrf1)  }
0x8b: {  	(xrf1) =	vsort.dscd.msk.f32 $0xffff, v33, v0;
	v33, v39, _ =	vpop (xrf1)  }
0x8c: {  	(xrf1) =	vsort.dscd.msk.f32 $0xffff, v37, v2;
	v27 =	vpop (erf)  }
0x8d: {  	(xrf1) =	vsort.ascd.msk.f32 $0xffff, v38, v1;
	v27 =	vmul.f32 v27, v6;
	v37 =	vpop (erf);
	v6 =	vmov v14  }
0x8e: {  	(xrf1) =	vsort.dscd.msk.f32 $0xffff, v13, v0;
	v14, v38, _ =	vpop (xrf1);
	v37 =	vmul.f32 v37, v5;
	v13 =	vmov v24;
	v5 =	vmov v12  }
0x8f: {  	v12, v24, _ =	vpop (xrf1);
	[tilespmem:s13+$0xFFFFFFF0] =	vst v27  }
0x90: {  	vm3 =	vge.f32 v26, v23;
	vm1 =	vge.f32 v12, v14;
	v40, v41, _ =	vpop (xrf1);
	(xrf1) =	vsort.dscd.msk.f32 $0xffff, v29, v31;
	[tilespmem:s13+$0xFFFFFFE0] =	vst v37;
	s13 =	smov.u32 s16;
	s16 =	smov.u32 s12  }
0x91: {  	v12 =	vsel vm1, v12, v14;
	v14 =	vsel vm1, v24, v38;
	(xrf1) =	vsort.ascd.msk.f32 $0xffff, v17, v21;
	v27, v24, _ =	vpop (xrf1);
	[tilespmem:s14+$0xFFFFFFF0] =	vst v7  }
0x92: {  	v17, v21, _ =	vpop (xrf1);
	(xrf1) =	vsort.dscd.msk.f32 $0xffff, v16, v18;
	v7 =	vnsel vm0, $0x0, v27;
	[tilespmem:s14+$0xFFFFFFE0] =	vst v4;
	v4 =	vmov v11;
	s14 =	smov.u32 s15;
	s15 =	smov.u32 s11  }
0x93: {  	v23 =	vsel vm3, v26, v23;
	vm2 =	vge.f32 v35, v33;
	vm1 =	vge.f32 v17, v40;
	v11, v29, _ =	vpop (xrf1);
	(xrf2) =	vadd.scan.msk.f32 $0xffff, v7  }
0x94: {  	v35 =	vsel vm2, v35, v33;
	v16 =	vsel vm2, v34, v39;
	vm2 =	vge.f32 v32, v30;
	v18, v31, _ =	vpop (xrf1)  }
0x95: {  	v30 =	vsel vm2, v32, v30;
	v28 =	vsel vm2, v36, v28;
	v33, v34, _ =	vpop (xrf1);
	(xrf1) =	vsort.ascd.msk.f32 $0xffff, v35, v16;
	v7 =	vmov v10  }
0x96: {  	v17 =	vsel vm1, v17, v40;
	vm2 =	vge.f32 v18, v33;
	v10, v32, _ =	vpop (xrf1);
	(xrf1) =	vsort.dscd.msk.f32 $0xffff, v12, v14  }
0x97: {  	v22 =	vsel vm3, v25, v22;
	v16 =	vsel vm2, v18, v33;
	v12, v14, _ =	vpop (xrf1);
	(xrf2) =	vadd.scan.msk.f32 $0xffff, v20  }
0x98: {  	vm3 =	vge.f32 v11, v10;
	v18 =	vsel vm2, v31, v34;
	v20, v25, _ =	vpop (xrf1);
	(xrf1) =	vsort.dscd.msk.f32 $0xffff, v30, v28  }
0x99: {  	v10 =	vsel vm3, v11, v10;
	v11 =	vsel vm3, v29, v32;
	v26 =	vld [tilespmem:s18+$0x70];
	v28, v29, _ =	vpop (xrf1);
	(xrf1) =	vsort.dscd.msk.f32 $0xffff, v23, v22;
	(erf) = vrcp.f32 v19  }
0x9a: {  	v21 =	vsel vm1, v21, v41;
	v19 =	vld [tilespmem:s18+$0x60];
	vm2 =	vge.f32 v28, v20;
	v22, v23, _ =	vpop (xrf1);
	(xrf1) =	vsort.ascd.msk.f32 $0xffff, v10, v11  }
0x9b: {  	v10 =	vld [tilespmem:s18+$0x50];
	vm1 =	vge.f32 v22, v12;
	v31 =	vsel vm2, v28, v20;
	v20 =	vsel vm2, v29, v25;
	v25, v28, _ =	vpop (xrf1);
	(xrf2) =	vadd.scan.msk.f32 $0xffff, v15  }
0x9c: {  	v15 =	vld [tilespmem:s18+$0x40];
	v32 =	vsel vm1, v22, v12;
	v14 =	vsel vm1, v23, v14;
	v22, v23, _ =	vpop (xrf1)  }
0x9d: {  	v11, _, _ =	vpop (xrf2)  }
0x9e: {  	v30 =	vld [tilespmem:s18+$0x30];
	vm1 =	vge.f32 v22, v25;
	(xrf1) =	vsort.dscd.msk.f32 $0xffff, v31, v20;
	v11 =	vbroadcast v11, $0xF  }
0x9f: {  	v20 =	vld [tilespmem:s18+$0x20];
	v22 =	vsel vm1, v22, v25;
	v23 =	vsel vm1, v23, v28;
	(xrf1) =	vsort.ascd.msk.f32 $0xffff, v32, v14;
	v12, v25, _ =	vpop (xrf1)  }
0xa0: {  	v28 =	vld [tilespmem:s18+$0x10];
	(xrf1) =	vsort.dscd.msk.f32 $0xffff, v19, v2;
	v14 =	vnsel vm0, $0x0, v12;
	v19, v29, _ =	vpop (xrf1)  }
0xa1: {  	v34 =	vld [tilespmem:s18+$0x0];
	v31, v32, _ =	vpop (xrf1);
	(xrf2) =	vadd.scan.msk.f32 $0xffff, v14;
	(erf) = vrcp.f32 v11  }
0xa2: {  	v35 =	vld [tilespmem:s18+$0xFFFFFFF0];
	(xrf1) =	vsort.dscd.msk.f32 $0xffff, v22, v23;
	vm1 =	vge.f32 v31, v19;
	v11, _, _ =	vpop (xrf2)  }
0xa3: {  	v19 =	vsel vm1, v31, v19;
	v39 =	vld [tilespmem:s18+$0xFFFFFFE0];
	(xrf1) =	vsort.ascd.msk.f32 $0xffff, v26, v3;
	v26 =	vsel vm1, v32, v29;
	v14 =	vpop (erf)  }
0xa4: {  	v32 =	vld [tilespmem:s18+$0xFFFFFFD0];
	v22, v23, _ =	vpop (xrf1);
	v14 =	vmul.f32 v14, v9;
	v9 =	vmov v12  }
0xa5: {  	v40 =	vbroadcast v11, $0xF;
	v33 =	vld [tilespmem:s18+$0xFFFFFFC0];
	v12, v31, _ =	vpop (xrf1)  }
0xa6: {  	v36 =	vld [tilespmem:s18+$0xFFFFFFB0];
	(xrf1) =	vsort.ascd.msk.f32 $0xffff, v10, v1;
	vm1 =	vge.f32 v12, v22;
	[tilespmem:s13+$0x10] =	vst v14;
	v10, _, _ =	vpop (xrf2)  }
0xa7: {  	v37 =	vld [tilespmem:s18+$0xFFFFFFA0];
	(xrf1) =	vsort.dscd.msk.f32 $0xffff, v15, v0;
	v29 =	vsel vm1, v12, v22;
	v31 =	vsel vm1, v31, v23;
	v12, v11, _ =	vpop (xrf1);
	v41 =	vbroadcast v10, $0xF  }
0xa8: {  	v38 =	vld [tilespmem:s18+$0xFFFFFF90];
	(xrf1) =	vsort.ascd.msk.f32 $0xffff, v30, v3;
	v14, v10, _ =	vpop (xrf1);
	[tilespmem:s14+$0x10] =	vst v8;
	v8 =	vmov v25  }
0xa9: {  	v23, v22, _ =	vpop (xrf1);
	(xrf1) =	vsort.dscd.msk.f32 $0xffff, v19, v26;
	(erf) = vrcp.f32 v40  }
.Ltmp0:
0xaa: {  	v15 =	vnsel vm0, $0x0, v12;
	(xrf1) =	vsort.dscd.msk.f32 $0xffff, v20, v2;
	v20 =	vnsel vm0, $0x0, v14;
	(erf) = vrcp.f32 v41;
	v19 =	vpop (erf);
	(pc) =	sbr.rel @p0 .LBB2_2-.Ltmp0, $4  }
0xab: {  	(xrf1) =	vsort.dscd.msk.f32 $0xffff, v39, v2;
	v30, _, _ =	vpop (xrf2);
	v27 =	vmul.f32 v19, v27  }
0xac: {  	(xrf1) =	vsort.dscd.msk.f32 $0xffff, v34, v0;
	v26, v25, _ =	vpop (xrf1);
	v19 =	vbroadcast v30, $0xF  }
0xad: {  	(xrf1) =	vsort.ascd.msk.f32 $0xffff, v28, v1;
	v30, v28, _ =	vpop (xrf1);
	[tilespmem:s13+$0x0] =	vst v27  }
0xae: {  	s18 =	sadd.s32 $0x100, s18;
	(xrf1) =	vsort.ascd.msk.f32 $0xffff, v35, v3;
	v35, v34, _ =	vpop (xrf1);
	[tilespmem:s14+$0x0] =	vst v24  }
0xaf: {  	(xrf1) =	vsort.ascd.msk.f32 $0xffff, v36, v3  }
0xb0: {  	(xrf1) =	vsort.ascd.msk.f32 $0xffff, v32, v1  }
0xb1: {  	(xrf1) =	vsort.dscd.msk.f32 $0xffff, v33, v0  }
0xb2: {  	v24, v27, _ =	vpop (xrf1);
	(xrf1) =	vsort.dscd.msk.f32 $0xffff, v37, v2  }
0xb3: {  	v44, v45, _ =	vpop (xrf1);
	(xrf1) =	vsort.ascd.msk.f32 $0xffff, v38, v1  }
0xb4: {  	(xrf1) =	vsort.dscd.msk.f32 $0xffff, v13, v0;
	v46, v47, _ =	vpop (xrf1)  }
0xb5: {  	v48, v39, _ =	vpop (xrf1)  }
0xb6: {  	vm2 =	vge.f32 v35, v44;
	(xrf1) =	vsort.dscd.msk.f32 $0xffff, v29, v31;
	v29, v31, _ =	vpop (xrf1)  }
0xb7: {  	v49 =	vsel vm2, v35, v44;
	(xrf1) =	vsort.ascd.msk.f32 $0xffff, v17, v21;
	v17, v13, _ =	vpop (xrf1)  }
0xb8: {  	v50 =	vsel vm2, v34, v45;
	vm1 =	vge.f32 v48, v46;
	(xrf1) =	vsort.dscd.msk.f32 $0xffff, v16, v18;
	v33, v34, _ =	vpop (xrf1)  }
0xb9: {  	v51 =	vsel vm1, v48, v46;
	v52 =	vsel vm1, v39, v47;
	(xrf1) =	vsort.ascd.msk.f32 $0xffff, v49, v50;
	v16, v18, _ =	vpop (xrf1)  }
0xba: {  	(xrf1) =	vsort.dscd.msk.f32 $0xffff, v51, v52;
	v21, v32, _ =	vpop (xrf1)  }
0xbb: {  	vm1 =	vge.f32 v24, v30;
	v53, v54, _ =	vpop (xrf1)  }
0xbc: {  	v27 =	vsel vm1, v27, v28;
	v56, v55, _ =	vpop (xrf1)  }
0xbd: {  	v24 =	vsel vm1, v24, v30;
	vm1 =	vge.f32 v26, v23;
	v57, v40, _ =	vpop (xrf1)  }
0xbe: {  	v23 =	vsel vm1, v26, v23;
	v41, v42, _ =	vpop (xrf1)  }
0xbf: {  	v22 =	vsel vm1, v25, v22;
	vm2 =	vge.f32 v16, v56;
	v59, v58, _ =	vpop (xrf1)  }
0xc0: {  	(xrf1) =	vsort.dscd.msk.f32 $0xffff, v24, v27;
	v16 =	vsel vm2, v16, v56;
	v24, v27, _ =	vpop (xrf1)  }
0xc1: {  	v18 =	vsel vm2, v18, v55;
	vm1 =	vge.f32 v59, v41;
	v61, v60, _ =	vpop (xrf1)  }
0xc2: {  	(xrf1) =	vsort.dscd.msk.f32 $0xffff, v23, v22;
	vm2 =	vge.f32 v24, v57;
	v30 =	vsel vm1, v58, v42;
	v22, v23, _ =	vpop (xrf1)  }
0xc3: {  	v24 =	vsel vm2, v24, v57;
	v27 =	vsel vm2, v27, v40;
	vm2 =	vge.f32 v22, v61  }
0xc4: {  	(xrf1) =	vsort.ascd.msk.f32 $0xffff, v16, v18;
	v28, v16, _ =	vpop (xrf1);
	v23 =	vsel vm2, v23, v60  }
0xc5: {  	v62 =	vsel vm1, v59, v41;
	v63, v40, _ =	vpop (xrf1);
	v22 =	vsel vm2, v22, v61  }
0xc6: {  	(xrf1) =	vsort.dscd.msk.f32 $0xffff, v62, v30;
	v18, v30, _ =	vpop (xrf1)  }
0xc7: {  	vm1 =	vge.f32 v33, v29;
	(xrf1) =	vsort.ascd.msk.f32 $0xffff, v24, v27;
	v42, v41, _ =	vpop (xrf1)  }
0xc8: {  	v44 =	vsel vm1, v33, v29;
	(xrf1) =	vsort.dscd.msk.f32 $0xffff, v22, v23;
	vm3 =	vge.f32 v18, v63;
	v22, v23, _ =	vpop (xrf1)  }
0xc9: {  	v18 =	vsel vm3, v18, v63;
	v43 =	vsel vm3, v30, v40;
	vm3 =	vge.f32 v22, v42  }
0xca: {  	(xrf1) =	vsort.dscd.msk.f32 $0xffff, v18, v43;
	v22 =	vsel vm3, v22, v42;
	v23 =	vsel vm3, v23, v41  }
0xcb: {  	v45 =	vsel vm1, v34, v31;
	vm2 =	vge.f32 v21, v53;
	(xrf1) =	vsort.dscd.msk.f32 $0xffff, v22, v23  }
0xcc: {  	v21 =	vsel vm2, v21, v53;
	v46 =	vsel vm2, v32, v54;
	(xrf1) =	vsort.ascd.msk.f32 $0xffff, v44, v45  }
0xcd: {  	(xrf1) =	vsort.dscd.msk.f32 $0xffff, v21, v46;
	_ =	sdelay $0x4  }
0xce: {  	v18, v21, _ =	vpop (xrf1)  }
0xcf: {  	v22, v23, _ =	vpop (xrf1)  }
0xd0: {  	v48, v47, _ =	vpop (xrf1)  }
0xd1: {  	v50, v49, _ =	vpop (xrf1)  }
0xd2: {  	v52, v51, _ =	vpop (xrf1)  }
0xd3: {  	v53, v54, _ =	vpop (xrf1)  }
0xd4: {  	v55 =	vnsel vm0, $0x0, v17;
	v33, v34, _ =	vpop (xrf1)  }
0xd5: {  	(xrf2) =	vadd.scan.msk.f32 $0xffff, v55;
	v36, v37, _ =	vpop (xrf1)  }
0xd6: {  	(xrf2) =	vadd.scan.msk.f32 $0xffff, v20;
	vm1 =	vge.f32 v50, v48;
	vm2 =	vge.f32 v53, v52;
	v57, v56, _ =	vpop (xrf1)  }
0xd7: {  	(xrf2) =	vadd.scan.msk.f32 $0xffff, v15;
	v24 =	vsel vm1, v50, v48;
	v58 =	vsel vm2, v53, v52;
	v59 =	vsel vm2, v54, v51;
	v61, v60, _ =	vpop (xrf1)  }
0xd8: {  	v25 =	vsel vm1, v49, v47;
	(xrf1) =	vsort.dscd.msk.f32 $0xffff, v58, v59;
	vm1 =	vge.f32 v61, v57  }
0xd9: {  	(xrf1) =	vsort.dscd.msk.f32 $0xffff, v24, v25;
	v62 =	vsel vm1, v61, v57;
	v63 =	vsel vm1, v60, v56  }
0xda: {  	(xrf1) =	vsort.dscd.msk.f32 $0xffff, v62, v63;
	_ =	sdelay $0x1  }
0xdb: {  	(erf) = vrcp.f32 v19;
	_ =	sdelay $0x1  }
0xdc: {  	v26 =	vnsel vm0, $0x0, v28  }
0xdd: {  	(xrf2) =	vadd.scan.msk.f32 $0xffff, v26  }
0xde: {  	v29, _, _ =	vpop (xrf2);
	v27 =	vnsel vm0, $0x0, v33  }
0xdf: {  	v31, _, _ =	vpop (xrf2);
	v15 =	vbroadcast v29, $0xF;
	(xrf2) =	vadd.scan.msk.f32 $0xffff, v27  }
0xe0: {  	v35, _, _ =	vpop (xrf2);
	v41 =	vbroadcast v31, $0xF  }
0xe1: {  	(erf) = vrcp.f32 v15;
	v30 =	vnsel vm0, $0x0, v22;
	v48 =	vpop (erf)  }
0xe2: {  	v20 =	vbroadcast v35, $0xF;
	(erf) = vrcp.f32 v41;
	v49 =	vpop (erf);
	(xrf2) =	vadd.scan.msk.f32 $0xffff, v30  }
0xe3: {  	v32 =	vnsel vm0, $0x0, v18;
	v53 =	vpop (erf)  }
0xe4: {  	(erf) = vrcp.f32 v20;
	(xrf2) =	vadd.scan.msk.f32 $0xffff, v32;
	v39, v40, _ =	vpop (xrf1)  }
0xe5: {  	v5 =	vmul.f32 v49, v5;
	v38 =	vnsel vm0, $0x0, v36;
	v42, v43, _ =	vpop (xrf1)  }
0xe6: {  	(xrf2) =	vadd.scan.msk.f32 $0xffff, v38;
	v44, v45, _ =	vpop (xrf1)  }
0xe7: {  	v46, _, _ =	vpop (xrf2);
	[tilespmem:s13+$0xFFFFFFE0] =	vst v5;
	v5 =	vmul.f32 v53, v9;
	v47 =	vnsel vm0, $0x0, v44  }
0xe8: {  	v15 =	vbroadcast v46, $0xF;
	v50 =	vnsel vm0, $0x0, v42;
	(xrf2) =	vadd.scan.msk.f32 $0xffff, v47  }
0xe9: {  	v51, _, _ =	vpop (xrf2);
	(xrf2) =	vadd.scan.msk.f32 $0xffff, v50  }
0xea: {  	(erf) = vrcp.f32 v15;
	[tilespmem:s14+$0xFFFFFFE0] =	vst v4;
	v4 =	vpop (erf);
	v15 =	vbroadcast v51, $0xF  }
0xeb: {  	[tilespmem:s16+$0x10] =	vst v5;
	v4 =	vmul.f32 v4, v17;
	v5 =	vpop (erf);
	v52 =	vnsel vm0, $0x0, v39  }
0xec: {  	v6 =	vmul.f32 v48, v6;
	v54, _, _ =	vpop (xrf2);
	(erf) = vrcp.f32 v15;
	(xrf2) =	vadd.scan.msk.f32 $0xffff, v52  }
0xed: {  	[tilespmem:s16+$0x0] =	vst v4;
	v4 =	vmul.f32 v5, v14;
	v5 =	vpop (erf);
	v56 =	vbroadcast v54, $0xF  }
0xee: {  	v5 =	vmul.f32 v5, v12;
	v55, _, _ =	vpop (xrf2)  }
0xef: {  	[tilespmem:s13+$0xFFFFFFF0] =	vst v6;
	v6 =	vbroadcast v55, $0xF;
	(erf) = vrcp.f32 v56  }
0xf0: {  	v57, _, _ =	vpop (xrf2)  }
0xf1: {  	[tilespmem:s14+$0xFFFFFFF0] =	vst v7;
	v58 =	vbroadcast v57, $0xF;
	(erf) = vrcp.f32 v6  }
0xf2: {  	[tilespmem:s15+$0x10] =	vst v8;
	v59, _, _ =	vpop (xrf2)  }
0xf3: {  	[tilespmem:s16+$0xFFFFFFE0] =	vst v5;
	(erf) = vrcp.f32 v58;
	v5, _, _ =	vpop (xrf2)  }
0xf4: {  	[tilespmem:s16+$0xFFFFFFF0] =	vst v4;
	v4 =	vpop (erf);
	v60 =	vbroadcast v59, $0xF;
	v5 =	vbroadcast v5, $0xF  }
0xf5: {  	[tilespmem:s15+$0x0] =	vst v13;
	v4 =	vmul.f32 v4, v28;
	v62 =	vpop (erf)  }
0xf6: {  	s12 =	sadd.s32 $0x40, s12;
	[tilespmem:s15+$0xFFFFFFF0] =	vst v10;
	v61, _, _ =	vpop (xrf2);
	(erf) = vrcp.f32 v60  }
0xf7: {  	[tilespmem:s12+$0x10] =	vst v4;
	v4 =	vmul.f32 v62, v33;
	v6 =	vbroadcast v61, $0xF  }
0xf8: {  	[tilespmem:s15+$0xFFFFFFE0] =	vst v11;
	(erf) = vrcp.f32 v5;
	v5 =	vpop (erf)  }
0xf9: {  	s11 =	sadd.s32 $0x40, s11;
	[tilespmem:s12+$0x0] =	vst v4;
	(erf) = vrcp.f32 v6;
	v4 =	vmul.f32 v5, v22  }
0xfa: {  	[tilespmem:s11+$0x10] =	vst v16;
	v63 =	vpop (erf)  }
0xfb: {  	[tilespmem:s11+$0x0] =	vst v34;
	v5 =	vmul.f32 v63, v18  }
0xfc: {  	[tilespmem:s12+$0xFFFFFFF0] =	vst v4  }
0xfd: {  	[tilespmem:s12+$0xFFFFFFE0] =	vst v5;
	v4 =	vpop (erf)  }
0xfe: {  	[tilespmem:s11+$0xFFFFFFF0] =	vst v23;
	v4 =	vmul.f32 v4, v36  }
0xff: {  	s12 =	sadd.s32 $0x40, s12;
	[tilespmem:s11+$0xFFFFFFE0] =	vst v21;
	v5 =	vpop (erf)  }
0x100: {  	s11 =	sadd.s32 $0x40, s11;
	[tilespmem:s12+$0x10] =	vst v4;
	v4 =	vmul.f32 v5, v44  }
0x101: {  	v5 =	vpop (erf);
	[tilespmem:s11+$0x10] =	vst v37  }
0x102: {  	[tilespmem:s12+$0x0] =	vst v4;
	v4 =	vmul.f32 v5, v42;
	v5 =	vpop (erf)  }
0x103: {  	[tilespmem:s11+$0x0] =	vst v45;
	v5 =	vmul.f32 v5, v39  }
0x104: {  	[tilespmem:s12+$0xFFFFFFF0] =	vst v4  }
0x105: {  	[tilespmem:s12+$0xFFFFFFE0] =	vst v5  }
0x106: {  	[tilespmem:s11+$0xFFFFFFF0] =	vst v43  }
0x107: {  	[tilespmem:s11+$0xFFFFFFE0] =	vst v40  }
0x108: {  	[hbm4b:s4+s2] =	stream.linear.scatter [tilespmem:s8], [sflag:$0x1], $0x2000, $0x38;
	[tilespmem:$0xC000] =	vst v63  }
0x109: {  	s10 =	sadd.s32 $0x1, s10;
	_ =	swait.ge [sflag:s7], $0x2000  }
0x10a: {  	p0 =	sne.s32 s10, s6;
	[sflag:s7] =	ssyncset.done $0x0  }
.Ltmp1:
0x10b: {  	[sflag:s7] =	ssyncadd.s32 $0xFFFFE000;
	(pc) =	sbr.rel @p0 .LBB2_1-.Ltmp1, $4  }
0x10c: {  	[hbm4b:s5+s2] =	stream.linear.scatter [tilespmem:s9], [sflag:$0x1], $0x2000, $0x38;
	[tilespmem:$0xC000] =	vst v63  }
0x10d: {  	_ =	swait.ge [sflag:s7], $0x2000  }
0x10e: {  	[sflag:s7] =	ssyncset.done $0x0  }
0x10f: {  	[sflag:s7] =	ssyncadd.s32 $0xFFFFE000  }
0x110: {  	_ =	sfence.sel $0x180000  }
0x111: {  	[bflag:$0x0] =	sbarrier.arrive $0xFFFF  }
0x112: {  	p0 =	sne.s32 s1, $0x0;
	_ =	strace $0x90000047  }
0x113: {  	s0 =	sadd.s32 @!p0 $0x100000, s0;
	[bflag:$0x2] =	sbarrier.arrive $0xFFFF  }
0x114: {  	[sflag:s0] =	ssyncadd.tile.s32 @!p0 $0x1;
	_ =	shalt  }
.Lfunc_end2:
_tile_overlayer_lowered:
.L_overlay_start_2:
0x115: {  	(tag) =	ssettag $0x2  }
0x116: {  	s0 =	rddreg [dreg:$0x0];
	s2 =	stileid.u32  }
0x117: {  	s1 =	rddreg [dreg:$0x1];
	p0 =	sne.s32 s2, $0x0  }
0x118: {  	s3 =	rddreg [dreg:$0x2];
	[bflag:$0x3] =	sbarrier.arrive $0xFFFF;
	s2 =	simm.s32 @!p0 $0x1C01  }
0x119: {  	[timem:s3], [sflag:s2] =	dma.local @!p0 [hbm:s0], s1  }
0x11a: {  	s0 =	simm.s32 @!p0 $0x1  }
0x11b: {  	_ =	swait.ge @!p0 [sflag:s0], s1  }
0x11c: {  	s1 =	ssub.s32 @!p0 $0x0, s1;
	[sflag:s0] =	ssyncset.done @!p0 $0x0  }
0x11d: {  	[sflag:s0] =	ssyncadd.s32 @!p0 s1  }
0x11e: {  	[bflag:$0x3] =	sbarrier.arrive $0xFFFF  }
0x11f: {  	_ =	shalt  }

</sc_bundles>
